<compile_context>
chip_gen: v7x
topology: tpu7x:2x2x1
jax: 0.10.2.dev20260603
libtpu: 0.0.44.dev20260713+nightly
codegen_flags: <defaults>
</compile_context>

<pallas_src>
import functools

import jax
import jax.numpy as jnp
from jax import lax
from jax.experimental import pallas as pl
from jax.experimental.pallas import tpu as pltpu
from jax.experimental.pallas import tpu_sc as plsc

E = 64
T = 2048
D = 768
F = 2048
TT = 128
NT = T // TT + E


def _route_kernel(x_ref, gate_ref, p_ref, te_ref, act_ref):
    x = x_ref[...]
    gate = gate_ref[...]
    logits = jnp.dot(x, gate, preferred_element_type=jnp.float32)
    m = jnp.max(logits, axis=1, keepdims=True)
    e_iota = jax.lax.broadcasted_iota(jnp.int32, (T, E), 1)
    eid = jnp.min(jnp.where(logits == m, e_iota, E), axis=1, keepdims=True)
    onehot = (e_iota == eid).astype(jnp.bfloat16)

    r_iota = jax.lax.broadcasted_iota(jnp.int32, (T, T), 0)
    c_iota = jax.lax.broadcasted_iota(jnp.int32, (T, T), 1)
    ltri = (c_iota < r_iota).astype(jnp.bfloat16)
    before = jnp.dot(ltri, onehot, preferred_element_type=jnp.float32)
    rank = jnp.sum(before * onehot.astype(jnp.float32), axis=1, keepdims=True)

    counts = jnp.sum(onehot.astype(jnp.float32), axis=0, keepdims=True)
    ntiles = jnp.floor((counts + (TT - 1)) * (1.0 / TT))
    tri_inc = (jax.lax.broadcasted_iota(jnp.int32, (E, E), 0)
               <= jax.lax.broadcasted_iota(jnp.int32, (E, E), 1)).astype(jnp.bfloat16)
    cum_inc = jnp.dot(ntiles.astype(jnp.bfloat16), tri_inc,
                      preferred_element_type=jnp.float32)
    cum_exc = cum_inc - ntiles

    base_t = jnp.sum(onehot.astype(jnp.float32) * cum_exc, axis=1, keepdims=True)
    p_ref[...] = (base_t * TT + rank).astype(jnp.int32)

    i_iota = jax.lax.broadcasted_iota(jnp.int32, (NT, E), 0).astype(jnp.float32)
    te_raw = jnp.sum((i_iota >= cum_inc).astype(jnp.int32), axis=1, keepdims=True)
    e64 = jax.lax.broadcasted_iota(jnp.int32, (1, E), 1)
    last_e = jnp.max(jnp.where(counts > 0, e64, 0), axis=1, keepdims=True)
    te_ref[...] = jnp.minimum(te_raw, last_e)
    act_ref[...] = (te_raw < E).astype(jnp.int32)


def _ffn_kernel(te_ref, act_ref, p_ref, x_ref, w0_ref, w1_ref, wo_ref,
                os_ref):
    i = pl.program_id(0)

    @pl.when(act_ref[i] == 1)
    def _compute():
        p = p_ref[...]
        slot = jax.lax.broadcasted_iota(jnp.int32, (T, TT), 1) + i * TT
        gt = (p == slot).astype(jnp.float32)
        xt = jax.lax.dot_general(gt, x_ref[...], (((0,), (0,)), ((), ())),
                                 preferred_element_type=jnp.float32)
        xtb = xt.astype(jnp.bfloat16)
        h0 = jnp.dot(xtb, w0_ref[0].astype(jnp.bfloat16),
                     preferred_element_type=jnp.float32)
        h1 = jnp.dot(xtb, w1_ref[0].astype(jnp.bfloat16),
                     preferred_element_type=jnp.float32)
        h = (h0 * jax.nn.sigmoid(h0) * h1).astype(jnp.bfloat16)
        os_ref[...] = jnp.dot(h, wo_ref[0].astype(jnp.bfloat16),
                              preferred_element_type=jnp.float32)


_SC_CORES = 2
_SC_SUBCORES = 16
_NW = _SC_CORES * _SC_SUBCORES
_TPW = T // _NW


def _unpermute_sc(os_hbm, p_hbm, out_hbm, idx_v, rows_v, sem):
    wid = lax.axis_index("s") * _SC_CORES + lax.axis_index("c")
    base = wid * _TPW
    pltpu.sync_copy(p_hbm.at[pl.ds(base, _TPW)], idx_v)
    pltpu.async_copy(os_hbm.at[idx_v], rows_v, sem).wait()
    pltpu.sync_copy(rows_v, out_hbm.at[pl.ds(base, _TPW)])


def _make_unpermute():
    mesh = plsc.VectorSubcoreMesh(
        core_axis_name="c", subcore_axis_name="s",
        num_cores=_SC_CORES, num_subcores=_SC_SUBCORES)
    return functools.partial(
        pl.kernel, mesh=mesh,
        out_type=jax.ShapeDtypeStruct((T, D), jnp.float32),
        scratch_types=[
            pltpu.VMEM((_TPW,), jnp.int32),
            pltpu.VMEM((_TPW, D), jnp.float32),
            pltpu.SemaphoreType.DMA,
        ],
    )(_unpermute_sc)


def kernel(x, gate_kernel, w0_kernel, w1_kernel, wo_kernel):
    xs = x.shape
    x2d = jnp.reshape(x, (T, D))

    p, te, act = pl.pallas_call(
        _route_kernel,
        out_shape=[
            jax.ShapeDtypeStruct((T, 1), jnp.int32),
            jax.ShapeDtypeStruct((NT, 1), jnp.int32),
            jax.ShapeDtypeStruct((NT, 1), jnp.int32),
        ],
    )(x2d, gate_kernel)
    te1d = te.reshape(NT)
    act1d = act.reshape(NT)

    grid_spec = pltpu.PrefetchScalarGridSpec(
        num_scalar_prefetch=2,
        grid=(NT,),
        in_specs=[
            pl.BlockSpec((T, 1), lambda i, te, act: (0, 0)),
            pl.BlockSpec((T, D), lambda i, te, act: (0, 0)),
            pl.BlockSpec((1, D, F), lambda i, te, act: (te[i], 0, 0)),
            pl.BlockSpec((1, D, F), lambda i, te, act: (te[i], 0, 0)),
            pl.BlockSpec((1, F, D), lambda i, te, act: (te[i], 0, 0)),
        ],
        out_specs=pl.BlockSpec((TT, D), lambda i, te, act: (i, 0)),
    )
    os = pl.pallas_call(
        _ffn_kernel,
        grid_spec=grid_spec,
        out_shape=jax.ShapeDtypeStruct((NT * TT, D), jnp.float32),
        compiler_params=pltpu.CompilerParams(
            vmem_limit_bytes=100 * 1024 * 1024),
    )(te1d, act1d, p, x2d, w0_kernel, w1_kernel, wo_kernel)

    out = _make_unpermute()(os, p.reshape(T))
    return jnp.reshape(out, xs)

# --- scband reference (transcript-rebuilt; emitter-appended) ---
"""Pipeline reference for scband-moe-block-47399259079014 (READ-ONLY COPY).

The authoritative reference and input builder live on the scoring server;
editing this copy changes nothing except your own understanding.
"""

import jax, jax.numpy as jnp
import numpy as np

NUM_EXPERTS = 64
TOP_K = 1
EMB = 768
MLP = 2048
B = 1
S = 2048


def setup_inputs(seed: int = 0) -> dict:
    key = jax.random.key(seed)
    k1, k2, k3, k4, k5 = jax.random.split(key, 5)
    x = jax.random.normal(k1, (B, S, EMB), dtype=jnp.float32)
    gate_kernel = jax.random.normal(k2, (EMB, NUM_EXPERTS), dtype=jnp.float32) * (1.0 / np.sqrt(EMB))
    w0_kernel = jax.random.normal(k3, (NUM_EXPERTS, EMB, MLP), dtype=jnp.float32) * (1.0 / np.sqrt(EMB))
    w1_kernel = jax.random.normal(k4, (NUM_EXPERTS, EMB, MLP), dtype=jnp.float32) * (1.0 / np.sqrt(EMB))
    wo_kernel = jax.random.normal(k5, (NUM_EXPERTS, MLP, EMB), dtype=jnp.float32) * (1.0 / np.sqrt(MLP))
    return {"x": x, "gate_kernel": gate_kernel, "w0_kernel": w0_kernel, "w1_kernel": w1_kernel, "wo_kernel": wo_kernel}


def reference(x, gate_kernel, w0_kernel, w1_kernel, wo_kernel):
    # Router: DenseGeneral gate -> top-k -> softmax over selected logits
    xs = x.shape
    x2d = jnp.reshape(x, (xs[0] * xs[1], xs[2]))
    gate_logits = jnp.dot(x2d, gate_kernel)  # [T, E]
    top_vals, selected_experts = jax.lax.top_k(gate_logits, TOP_K)  # [T, k]
    weights = jax.nn.softmax(top_vals.astype(jnp.float32), axis=-1).astype(x2d.dtype)  # [T, k]

    out = jnp.zeros_like(x2d)
    # Group tokens by expert (equivalent math to the permute/gmm path):
    def body(e, out):
        mask = selected_experts == e  # [T, k]
        tok_mask = jnp.any(mask, axis=-1)  # [T]
        xe = jnp.where(tok_mask[:, None], x2d, 0)  # zero out tokens not routed to expert e
        w0 = jax.lax.dynamic_index_in_dim(w0_kernel, e, 0, keepdims=False)
        w1 = jax.lax.dynamic_index_in_dim(w1_kernel, e, 0, keepdims=False)
        wo = jax.lax.dynamic_index_in_dim(wo_kernel, e, 0, keepdims=False)
        h = jax.nn.silu(jnp.dot(xe, w0)) * jnp.dot(xe, w1)
        oe = jnp.dot(h, wo)
        we = jnp.sum(jnp.where(mask, weights, 0), axis=-1)  # [T]
        return out + we[:, None] * oe  # unpermute: accumulate weighted expert outputs

    out = jax.lax.fori_loop(0, NUM_EXPERTS, body, out)
    return jnp.reshape(out, xs)

if __name__ == "__main__":
    import jax
    _d = setup_inputs()
    print(jax.jit(kernel)(*tuple(_d.values())))

</pallas_src>

<mosaic_0001>
#map = affine_map<(d0, d1) -> (0, 0)>
#map1 = affine_map<(d0, d1) -> (0)>
module attributes {stable_mosaic.version = 14 : i64} {
  func.func @_unpermute_sc(%arg0: i32, %arg1: i32, %arg2: memref<10240x768xf32, #tpu.memory_space<hbm>>, %arg3: memref<2048xi32, #tpu.memory_space<hbm>>, %arg4: memref<2048x768xf32, #tpu.memory_space<hbm>>, %arg5: memref<64xi32, #tpu.memory_space<vmem>>, %arg6: memref<64x768xf32, #tpu.memory_space<vmem>>, %arg7: memref<!tpu.dma_semaphore, #tpu.memory_space<semaphore_mem>>) attributes {dimension_semantics = [#tpu.dimension_semantics<core_parallel>, #tpu.dimension_semantics<subcore_parallel>], iteration_bounds = array<i64: 2, 16>, scalar_prefetch = 0 : i64, scratch_operands = 3 : i64, tpu.core_type = #tpu.core_type<sc_vector_subcore>, window_params = [{transform_indices = #map}, {transform_indices = #map1}, {transform_indices = #map}]} {
    %mul3A = arith.constant 2 : i32
    %mul3A_0 = arith.muli %arg1, %mul3A : i32
    %add3A = arith.addi %mul3A_0, %arg0 : i32
    %mul3A_1 = arith.constant 64 : i32
    %mul3A_2 = arith.muli %add3A, %mul3A_1 : i32
    "tpu.region"() ({
      %run_scoped3A = tpu.sem_alloc : memref<!tpu.dma_semaphore, #tpu.memory_space<semaphore_mem>>
      %dma_start3A_7 = tpu.memref_slice %arg3[%mul3A_2] : memref<2048xi32, #tpu.memory_space<hbm>> -> memref<64xi32, #tpu.memory_space<hbm>>
      %dma_start3A_8 = tpu.memref_slice %arg3[%mul3A_2] : memref<2048xi32, #tpu.memory_space<hbm>> -> memref<64xi32, #tpu.memory_space<hbm>>
      tpu.enqueue_dma source(%dma_start3A_8 : memref<64xi32, #tpu.memory_space<hbm>>) target(%arg5 : memref<64xi32, #tpu.memory_space<vmem>>) target_semaphore(%run_scoped3A : memref<!tpu.dma_semaphore, #tpu.memory_space<semaphore_mem>>)
      %dma_wait3A_9 = tpu.memref_slice %arg3[%mul3A_2] : memref<2048xi32, #tpu.memory_space<hbm>> -> memref<64xi32, #tpu.memory_space<hbm>>
      %dma_wait3A_10 = tpu.memref_slice %arg3[%mul3A_2] : memref<2048xi32, #tpu.memory_space<hbm>> -> memref<64xi32, #tpu.memory_space<hbm>>
      tpu.wait_dma2 semaphore(%run_scoped3A : memref<!tpu.dma_semaphore, #tpu.memory_space<semaphore_mem>>) src(%dma_wait3A_10 : memref<64xi32, #tpu.memory_space<hbm>>) dst(%arg5 : memref<64xi32, #tpu.memory_space<vmem>>)
      tpu.yield
    }) : () -> ()
    %dma_start3A = arith.constant 0 : i32
    %dma_start3A_3 = arith.constant 0 : i32
    %dma_start3A_4 = tpu.memref_slice %arg2[%dma_start3A, %dma_start3A_3] : memref<10240x768xf32, #tpu.memory_space<hbm>> -> memref<10240x768xf32, #tpu.memory_space<hbm>>
    tpu.enqueue_indirect_dma source(%dma_start3A_4 : memref<10240x768xf32, #tpu.memory_space<hbm>>) target(%arg6 : memref<64x768xf32, #tpu.memory_space<vmem>>) offsets(%arg5 : memref<64xi32, #tpu.memory_space<vmem>>) semaphore(%arg7 : memref<!tpu.dma_semaphore, #tpu.memory_space<semaphore_mem>>)
    %dma_wait3A = arith.constant 0 : i32
    %dma_wait3A_5 = arith.constant 0 : i32
    %dma_wait3A_6 = tpu.memref_slice %arg2[%dma_wait3A, %dma_wait3A_5] : memref<10240x768xf32, #tpu.memory_space<hbm>> -> memref<10240x768xf32, #tpu.memory_space<hbm>>
    tpu.wait_indirect_dma semaphore(%arg7 : memref<!tpu.dma_semaphore, #tpu.memory_space<semaphore_mem>>) src(%dma_wait3A_6 : memref<10240x768xf32, #tpu.memory_space<hbm>>) dst(%arg6 : memref<64x768xf32, #tpu.memory_space<vmem>>)
    "tpu.region"() ({
      %run_scoped3A = tpu.sem_alloc : memref<!tpu.dma_semaphore, #tpu.memory_space<semaphore_mem>>
      %dma_start3A_7 = arith.constant 0 : i32
      %dma_start3A_8 = tpu.memref_slice %arg4[%mul3A_2, %dma_start3A_7] : memref<2048x768xf32, #tpu.memory_space<hbm>> -> memref<64x768xf32, #tpu.memory_space<hbm>>
      %dma_start3A_9 = arith.constant 0 : i32
      %dma_start3A_10 = tpu.memref_slice %arg4[%mul3A_2, %dma_start3A_9] : memref<2048x768xf32, #tpu.memory_space<hbm>> -> memref<64x768xf32, #tpu.memory_space<hbm>>
      tpu.enqueue_dma source(%arg6 : memref<64x768xf32, #tpu.memory_space<vmem>>) target(%dma_start3A_10 : memref<64x768xf32, #tpu.memory_space<hbm>>) target_semaphore(%run_scoped3A : memref<!tpu.dma_semaphore, #tpu.memory_space<semaphore_mem>>)
      %dma_wait3A_11 = arith.constant 0 : i32
      %dma_wait3A_12 = tpu.memref_slice %arg4[%mul3A_2, %dma_wait3A_11] : memref<2048x768xf32, #tpu.memory_space<hbm>> -> memref<64x768xf32, #tpu.memory_space<hbm>>
      %dma_wait3A_13 = arith.constant 0 : i32
      %dma_wait3A_14 = tpu.memref_slice %arg4[%mul3A_2, %dma_wait3A_13] : memref<2048x768xf32, #tpu.memory_space<hbm>> -> memref<64x768xf32, #tpu.memory_space<hbm>>
      tpu.wait_dma2 semaphore(%run_scoped3A : memref<!tpu.dma_semaphore, #tpu.memory_space<semaphore_mem>>) src(%arg6 : memref<64x768xf32, #tpu.memory_space<vmem>>) dst(%dma_wait3A_14 : memref<64x768xf32, #tpu.memory_space<hbm>>)
      tpu.yield
    }) : () -> ()
    return
  }
}

module attributes {stable_mosaic.version = 14 : i64} {
  func.func @_route_kernel(%arg0: memref<2048x768xf32, #tpu.memory_space<vmem>>, %arg1: memref<768x64xf32, #tpu.memory_space<vmem>>, %arg2: memref<2048x1xi32, #tpu.memory_space<vmem>>, %arg3: memref<80x1xi32, #tpu.memory_space<vmem>>, %arg4: memref<80x1xi32, #tpu.memory_space<vmem>>) attributes {dimension_semantics = [], scalar_prefetch = 0 : i64, scratch_operands = 0 : i64, tpu.core_type = #tpu.core_type<tc>} {
    %get3A = arith.constant 0 : index
    %get3A_0 = arith.constant 0 : index
    %get3A_1 = vector.load %arg0[%get3A, %get3A_0] : memref<2048x768xf32, #tpu.memory_space<vmem>>, vector<2048x768xf32>
    %get3A_2 = arith.constant 0 : index
    %get3A_3 = arith.constant 0 : index
    %get3A_4 = vector.load %arg1[%get3A_2, %get3A_3] : memref<768x64xf32, #tpu.memory_space<vmem>>, vector<768x64xf32>
    %dot_general3A = arith.constant dense<0.000000e+00> : vector<2048x64xf32>
    %dot_general3A_5 = tpu.matmul %get3A_1, %get3A_4, %dot_general3A {dimension_numbers = #tpu.dot_dimension_numbers<[1], [0], [0], [1], [0, 0, 1, 1], [], []>, transpose_lhs_hint = false} : vector<2048x768xf32>, vector<768x64xf32>, vector<2048x64xf32> -> vector<2048x64xf32>
    %reduce_max3A = arith.constant dense<0xFF800000> : vector<2048xf32>
    %reduce_max3A_6 = vector.multi_reduction <maximumf>, %dot_general3A_5, %reduce_max3A [1] : vector<2048x64xf32> to vector<2048xf32>
    %broadcast_in_dim3A = vector.shape_cast %reduce_max3A_6 : vector<2048xf32> to vector<2048x1xf32>
    %iota3A = tpu.iota {dimensions = array<i32: 1>} : vector<2048x64xi32>
    %eq3A = vector.broadcast %broadcast_in_dim3A : vector<2048x1xf32> to vector<2048x64xf32>
    %eq3A_7 = arith.cmpf oeq, %dot_general3A_5, %eq3A : vector<2048x64xf32>
    %jit3A = arith.constant 64 : i32
    %broadcast_in_dim3A_8 = vector.broadcast %jit3A : i32 to vector<2048x64xi32>
    %select_n3A = arith.select %eq3A_7, %iota3A, %broadcast_in_dim3A_8 : vector<2048x64xi1>, vector<2048x64xi32>
    %reduce_min3A = arith.constant dense<2147483647> : vector<2048xi32>
    %reduce_min3A_9 = vector.multi_reduction <minsi>, %select_n3A, %reduce_min3A [1] : vector<2048x64xi32> to vector<2048xi32>
    %broadcast_in_dim3A_10 = vector.shape_cast %reduce_min3A_9 : vector<2048xi32> to vector<2048x1xi32>
    %eq3A_11 = vector.broadcast %broadcast_in_dim3A_10 : vector<2048x1xi32> to vector<2048x64xi32>
    %eq3A_12 = arith.cmpi eq, %iota3A, %eq3A_11 : vector<2048x64xi32>
    %convert_element_type3A = arith.extui %eq3A_12 : vector<2048x64xi1> to vector<2048x64xi32>
    %convert_element_type3A_13 = arith.sitofp %convert_element_type3A : vector<2048x64xi32> to vector<2048x64xf32>
    %convert_element_type3A_14 = arith.truncf %convert_element_type3A_13 : vector<2048x64xf32> to vector<2048x64xbf16>
    %iota3A_15 = tpu.iota {dimensions = array<i32: 0>} : vector<2048x2048xi32>
    %iota3A_16 = tpu.iota {dimensions = array<i32: 1>} : vector<2048x2048xi32>
    %lt3A = arith.cmpi slt, %iota3A_16, %iota3A_15 : vector<2048x2048xi32>
    %convert_element_type3A_17 = arith.extui %lt3A : vector<2048x2048xi1> to vector<2048x2048xi32>
    %convert_element_type3A_18 = arith.sitofp %convert_element_type3A_17 : vector<2048x2048xi32> to vector<2048x2048xf32>
    %convert_element_type3A_19 = arith.truncf %convert_element_type3A_18 : vector<2048x2048xf32> to vector<2048x2048xbf16>
    %dot_general3A_20 = arith.constant dense<0.000000e+00> : vector<2048x64xf32>
    %dot_general3A_21 = tpu.matmul %convert_element_type3A_19, %convert_element_type3A_14, %dot_general3A_20 {dimension_numbers = #tpu.dot_dimension_numbers<[1], [0], [0], [1], [0, 0, 1, 1], [], []>, transpose_lhs_hint = false} : vector<2048x2048xbf16>, vector<2048x64xbf16>, vector<2048x64xf32> -> vector<2048x64xf32>
    %convert_element_type3A_22 = arith.extf %convert_element_type3A_14 : vector<2048x64xbf16> to vector<2048x64xf32>
    %mul3A = arith.mulf %dot_general3A_21, %convert_element_type3A_22 : vector<2048x64xf32>
    %reduce_sum3A = arith.constant dense<0.000000e+00> : vector<2048xf32>
    %reduce_sum3A_23 = vector.multi_reduction <add>, %mul3A, %reduce_sum3A [1] : vector<2048x64xf32> to vector<2048xf32>
    %broadcast_in_dim3A_24 = vector.shape_cast %reduce_sum3A_23 : vector<2048xf32> to vector<2048x1xf32>
    %convert_element_type3A_25 = arith.extf %convert_element_type3A_14 : vector<2048x64xbf16> to vector<2048x64xf32>
    %reduce_sum3A_26 = arith.constant dense<0.000000e+00> : vector<64xf32>
    %reduce_sum3A_27 = vector.multi_reduction <add>, %convert_element_type3A_25, %reduce_sum3A_26 [0] : vector<2048x64xf32> to vector<64xf32>
    %broadcast_in_dim3A_28 = vector.shape_cast %reduce_sum3A_27 : vector<64xf32> to vector<1x64xf32>
    %add3A = arith.constant 1.270000e+02 : f32
    %add3A_29 = vector.broadcast %add3A : f32 to vector<1x64xf32>
    %add3A_30 = arith.addf %broadcast_in_dim3A_28, %add3A_29 : vector<1x64xf32>
    %mul3A_31 = arith.constant 7.812500e-03 : f32
    %mul3A_32 = vector.broadcast %mul3A_31 : f32 to vector<1x64xf32>
    %mul3A_33 = arith.mulf %add3A_30, %mul3A_32 : vector<1x64xf32>
    %floor3A = math.floor %mul3A_33 : vector<1x64xf32>
    %iota3A_34 = tpu.iota {dimensions = array<i32: 0>} : vector<64x64xi32>
    %iota3A_35 = tpu.iota {dimensions = array<i32: 1>} : vector<64x64xi32>
    %le3A = arith.cmpi sle, %iota3A_34, %iota3A_35 : vector<64x64xi32>
    %convert_element_type3A_36 = arith.extui %le3A : vector<64x64xi1> to vector<64x64xi32>
    %convert_element_type3A_37 = arith.sitofp %convert_element_type3A_36 : vector<64x64xi32> to vector<64x64xf32>
    %convert_element_type3A_38 = arith.truncf %convert_element_type3A_37 : vector<64x64xf32> to vector<64x64xbf16>
    %convert_element_type3A_39 = arith.truncf %floor3A : vector<1x64xf32> to vector<1x64xbf16>
    %dot_general3A_40 = arith.constant dense<0.000000e+00> : vector<1x64xf32>
    %dot_general3A_41 = tpu.matmul %convert_element_type3A_39, %convert_element_type3A_38, %dot_general3A_40 {dimension_numbers = #tpu.dot_dimension_numbers<[1], [0], [0], [1], [0, 0, 1, 1], [], []>, transpose_lhs_hint = false} : vector<1x64xbf16>, vector<64x64xbf16>, vector<1x64xf32> -> vector<1x64xf32>
    %sub3A = arith.subf %dot_general3A_41, %floor3A : vector<1x64xf32>
    %convert_element_type3A_42 = arith.extf %convert_element_type3A_14 : vector<2048x64xbf16> to vector<2048x64xf32>
    %mul3A_43 = vector.broadcast %sub3A : vector<1x64xf32> to vector<2048x64xf32>
    %mul3A_44 = arith.mulf %convert_element_type3A_42, %mul3A_43 : vector<2048x64xf32>
    %reduce_sum3A_45 = arith.constant dense<0.000000e+00> : vector<2048xf32>
    %reduce_sum3A_46 = vector.multi_reduction <add>, %mul3A_44, %reduce_sum3A_45 [1] : vector<2048x64xf32> to vector<2048xf32>
    %broadcast_in_dim3A_47 = vector.shape_cast %reduce_sum3A_46 : vector<2048xf32> to vector<2048x1xf32>
    %mul3A_48 = arith.constant 1.280000e+02 : f32
    %mul3A_49 = vector.broadcast %mul3A_48 : f32 to vector<2048x1xf32>
    %mul3A_50 = arith.mulf %broadcast_in_dim3A_47, %mul3A_49 : vector<2048x1xf32>
    %add3A_51 = arith.addf %mul3A_50, %broadcast_in_dim3A_24 : vector<2048x1xf32>
    %convert_element_type3A_52 = arith.fptosi %add3A_51 : vector<2048x1xf32> to vector<2048x1xi32>
    %swap3A = arith.constant 0 : index
    %swap3A_53 = arith.constant 0 : index
    %swap3A_54 = vector.load %arg2[%swap3A, %swap3A_53] : memref<2048x1xi32, #tpu.memory_space<vmem>>, vector<2048x1xi32>
    tpu.vector_store %arg2[%swap3A, %swap3A_53], %convert_element_type3A_52 {strides = array<i32>} : memref<2048x1xi32, #tpu.memory_space<vmem>>, vector<2048x1xi32>,
    %iota3A_55 = tpu.iota {dimensions = array<i32: 0>} : vector<80x64xi32>
    %convert_element_type3A_56 = arith.sitofp %iota3A_55 : vector<80x64xi32> to vector<80x64xf32>
    %ge3A = vector.broadcast %dot_general3A_41 : vector<1x64xf32> to vector<80x64xf32>
    %ge3A_57 = arith.cmpf oge, %convert_element_type3A_56, %ge3A : vector<80x64xf32>
    %convert_element_type3A_58 = arith.extui %ge3A_57 : vector<80x64xi1> to vector<80x64xi32>
    %reduce_sum3A_59 = arith.constant dense<0> : vector<80xi32>
    %reduce_sum3A_60 = vector.multi_reduction <add>, %convert_element_type3A_58, %reduce_sum3A_59 [1] : vector<80x64xi32> to vector<80xi32>
    %broadcast_in_dim3A_61 = vector.shape_cast %reduce_sum3A_60 : vector<80xi32> to vector<80x1xi32>
    %iota3A_62 = tpu.iota {dimensions = array<i32: 1>} : vector<1x64xi32>
    %gt3A = arith.constant 0.000000e+00 : f32
    %gt3A_63 = vector.broadcast %gt3A : f32 to vector<1x64xf32>
    %gt3A_64 = arith.cmpf ogt, %broadcast_in_dim3A_28, %gt3A_63 : vector<1x64xf32>
    %jit3A_65 = arith.constant 0 : i32
    %broadcast_in_dim3A_66 = vector.broadcast %jit3A_65 : i32 to vector<1x64xi32>
    %select_n3A_67 = arith.select %gt3A_64, %iota3A_62, %broadcast_in_dim3A_66 : vector<1x64xi1>, vector<1x64xi32>
    %reduce_max3A_68 = arith.constant dense<-2147483648> : vector<1xi32>
    %reduce_max3A_69 = vector.multi_reduction <maxsi>, %select_n3A_67, %reduce_max3A_68 [1] : vector<1x64xi32> to vector<1xi32>
    %broadcast_in_dim3A_70 = vector.shape_cast %reduce_max3A_69 : vector<1xi32> to vector<1x1xi32>
    %min3A = vector.broadcast %broadcast_in_dim3A_70 : vector<1x1xi32> to vector<80x1xi32>
    %min3A_71 = arith.minsi %broadcast_in_dim3A_61, %min3A : vector<80x1xi32>
    %swap3A_72 = arith.constant 0 : index
    %swap3A_73 = arith.constant 0 : index
    %swap3A_74 = vector.load %arg3[%swap3A_72, %swap3A_73] : memref<80x1xi32, #tpu.memory_space<vmem>>, vector<80x1xi32>
    tpu.vector_store %arg3[%swap3A_72, %swap3A_73], %min3A_71 {strides = array<i32>} : memref<80x1xi32, #tpu.memory_space<vmem>>, vector<80x1xi32>,
    %lt3A_75 = arith.constant 64 : i32
    %lt3A_76 = vector.broadcast %lt3A_75 : i32 to vector<80x1xi32>
    %lt3A_77 = arith.cmpi slt, %broadcast_in_dim3A_61, %lt3A_76 : vector<80x1xi32>
    %convert_element_type3A_78 = arith.extui %lt3A_77 : vector<80x1xi1> to vector<80x1xi32>
    %swap3A_79 = arith.constant 0 : index
    %swap3A_80 = arith.constant 0 : index
    %swap3A_81 = vector.load %arg4[%swap3A_79, %swap3A_80] : memref<80x1xi32, #tpu.memory_space<vmem>>, vector<80x1xi32>
    tpu.vector_store %arg4[%swap3A_79, %swap3A_80], %convert_element_type3A_78 {strides = array<i32>} : memref<80x1xi32, #tpu.memory_space<vmem>>, vector<80x1xi32>,
    return
  }
}

module attributes {stable_mosaic.version = 14 : i64} {
  func.func @_ffn_kernel(%arg0: i32, %arg1: memref<80xi32, #tpu.memory_space<smem>>, %arg2: memref<80xi32, #tpu.memory_space<smem>>, %arg3: memref<2048x1xi32, #tpu.memory_space<vmem>>, %arg4: memref<2048x768xf32, #tpu.memory_space<vmem>>, %arg5: memref<1x768x2048xf32, #tpu.memory_space<vmem>>, %arg6: memref<1x768x2048xf32, #tpu.memory_space<vmem>>, %arg7: memref<1x2048x768xf32, #tpu.memory_space<vmem>>, %arg8: memref<128x768xf32, #tpu.memory_space<vmem>>) attributes {dimension_semantics = [#tpu.dimension_semantics<arbitrary>], iteration_bounds = array<i64: 80>, scalar_prefetch = 2 : i64, scratch_operands = 0 : i64, tpu.core_type = #tpu.core_type<tc>, window_params = [{pipeline_mode = #tpu.pipeline_mode<synchronous>, transform_indices = @transform_0, window_bounds = array<i64: 2048, 1>}, {pipeline_mode = #tpu.pipeline_mode<synchronous>, transform_indices = @transform_1, window_bounds = array<i64: 2048, 768>}, {transform_indices = @transform_2, window_bounds = array<i64: 1, 768, 2048>}, {transform_indices = @transform_3, window_bounds = array<i64: 1, 768, 2048>}, {transform_indices = @transform_4, window_bounds = array<i64: 1, 2048, 768>}, {transform_indices = @transform_5, window_bounds = array<i64: 128, 768>}]} {
    %get3A = arith.index_cast %arg0 : i32 to index
    %get3A_0 = memref.load %arg2[%get3A] : memref<80xi32, #tpu.memory_space<smem>>
    %eq3A = arith.constant 1 : i32
    %eq3A_1 = arith.cmpi eq, %get3A_0, %eq3A : i32
    %convert_element_type3A = arith.extui %eq3A_1 : i1 to i32
    %cond3A = arith.constant 0 : i32
    %cond3A_2 = arith.cmpi ne, %convert_element_type3A, %cond3A : i32
    scf.if %cond3A_2 {
      %get3A_3 = arith.constant 0 : index
      %get3A_4 = arith.constant 0 : index
      %get3A_5 = vector.load %arg3[%get3A_3, %get3A_4] : memref<2048x1xi32, #tpu.memory_space<vmem>>, vector<2048x1xi32>
      %iota3A = tpu.iota {dimensions = array<i32: 1>} : vector<2048x128xi32>
      %mul3A = arith.constant 128 : i32
      %mul3A_6 = arith.muli %arg0, %mul3A : i32
      %add3A = vector.broadcast %mul3A_6 : i32 to vector<2048x128xi32>
      %add3A_7 = arith.addi %iota3A, %add3A : vector<2048x128xi32>
      %eq3A_8 = vector.broadcast %get3A_5 : vector<2048x1xi32> to vector<2048x128xi32>
      %eq3A_9 = arith.cmpi eq, %eq3A_8, %add3A_7 : vector<2048x128xi32>
      %convert_element_type3A_10 = arith.extui %eq3A_9 : vector<2048x128xi1> to vector<2048x128xi32>
      %convert_element_type3A_11 = arith.sitofp %convert_element_type3A_10 : vector<2048x128xi32> to vector<2048x128xf32>
      %get3A_12 = arith.constant 0 : index
      %get3A_13 = arith.constant 0 : index
      %get3A_14 = vector.load %arg4[%get3A_12, %get3A_13] : memref<2048x768xf32, #tpu.memory_space<vmem>>, vector<2048x768xf32>
      %dot_general3A = arith.constant dense<0.000000e+00> : vector<128x768xf32>
      %dot_general3A_15 = tpu.matmul %convert_element_type3A_11, %get3A_14, %dot_general3A {dimension_numbers = #tpu.dot_dimension_numbers<[0], [0], [1], [1], [0, 1, 1, 1], [], []>, transpose_lhs_hint = false} : vector<2048x128xf32>, vector<2048x768xf32>, vector<128x768xf32> -> vector<128x768xf32>
      %convert_element_type3A_16 = arith.truncf %dot_general3A_15 : vector<128x768xf32> to vector<128x768xbf16>
      %get3A_17 = arith.constant 0 : index
      %get3A_18 = arith.constant 0 : index
      %get3A_19 = arith.constant 0 : index
      %get3A_20 = vector.load %arg5[%get3A_17, %get3A_18, %get3A_19] : memref<1x768x2048xf32, #tpu.memory_space<vmem>>, vector<1x768x2048xf32>
      %get3A_21 = vector.shape_cast %get3A_20 : vector<1x768x2048xf32> to vector<768x2048xf32>
      %convert_element_type3A_22 = arith.truncf %get3A_21 : vector<768x2048xf32> to vector<768x2048xbf16>
      %dot_general3A_23 = arith.constant dense<0.000000e+00> : vector<128x2048xf32>
      %dot_general3A_24 = tpu.matmul %convert_element_type3A_16, %convert_element_type3A_22, %dot_general3A_23 {dimension_numbers = #tpu.dot_dimension_numbers<[1], [0], [0], [1], [0, 0, 1, 1], [], []>, transpose_lhs_hint = false} : vector<128x768xbf16>, vector<768x2048xbf16>, vector<128x2048xf32> -> vector<128x2048xf32>
      %get3A_25 = arith.constant 0 : index
      %get3A_26 = arith.constant 0 : index
      %get3A_27 = arith.constant 0 : index
      %get3A_28 = vector.load %arg6[%get3A_25, %get3A_26, %get3A_27] : memref<1x768x2048xf32, #tpu.memory_space<vmem>>, vector<1x768x2048xf32>
      %get3A_29 = vector.shape_cast %get3A_28 : vector<1x768x2048xf32> to vector<768x2048xf32>
      %convert_element_type3A_30 = arith.truncf %get3A_29 : vector<768x2048xf32> to vector<768x2048xbf16>
      %dot_general3A_31 = arith.constant dense<0.000000e+00> : vector<128x2048xf32>
      %dot_general3A_32 = tpu.matmul %convert_element_type3A_16, %convert_element_type3A_30, %dot_general3A_31 {dimension_numbers = #tpu.dot_dimension_numbers<[1], [0], [0], [1], [0, 0, 1, 1], [], []>, transpose_lhs_hint = false} : vector<128x768xbf16>, vector<768x2048xbf16>, vector<128x2048xf32> -> vector<128x2048xf32>
      %logistic3A = arith.negf %dot_general3A_24 : vector<128x2048xf32>
      %logistic3A_33 = math.exp %logistic3A : vector<128x2048xf32>
      %logistic3A_34 = arith.constant 1.000000e+00 : f32
      %logistic3A_35 = vector.broadcast %logistic3A_34 : f32 to vector<128x2048xf32>
      %logistic3A_36 = arith.addf %logistic3A_35, %logistic3A_33 : vector<128x2048xf32>
      %logistic3A_37 = arith.divf %logistic3A_35, %logistic3A_36 : vector<128x2048xf32>
      %mul3A_38 = arith.mulf %dot_general3A_24, %logistic3A_37 : vector<128x2048xf32>
      %mul3A_39 = arith.mulf %mul3A_38, %dot_general3A_32 : vector<128x2048xf32>
      %convert_element_type3A_40 = arith.truncf %mul3A_39 : vector<128x2048xf32> to vector<128x2048xbf16>
      %get3A_41 = arith.constant 0 : index
      %get3A_42 = arith.constant 0 : index
      %get3A_43 = arith.constant 0 : index
      %get3A_44 = vector.load %arg7[%get3A_41, %get3A_42, %get3A_43] : memref<1x2048x768xf32, #tpu.memory_space<vmem>>, vector<1x2048x768xf32>
      %get3A_45 = vector.shape_cast %get3A_44 : vector<1x2048x768xf32> to vector<2048x768xf32>
      %convert_element_type3A_46 = arith.truncf %get3A_45 : vector<2048x768xf32> to vector<2048x768xbf16>
      %dot_general3A_47 = arith.constant dense<0.000000e+00> : vector<128x768xf32>
      %dot_general3A_48 = tpu.matmul %convert_element_type3A_40, %convert_element_type3A_46, %dot_general3A_47 {dimension_numbers = #tpu.dot_dimension_numbers<[1], [0], [0], [1], [0, 0, 1, 1], [], []>, transpose_lhs_hint = false} : vector<128x2048xbf16>, vector<2048x768xbf16>, vector<128x768xf32> -> vector<128x768xf32>
      %swap3A = arith.constant 0 : index
      %swap3A_49 = arith.constant 0 : index
      %swap3A_50 = vector.load %arg8[%swap3A, %swap3A_49] : memref<128x768xf32, #tpu.memory_space<vmem>>, vector<128x768xf32>
      tpu.vector_store %arg8[%swap3A, %swap3A_49], %dot_general3A_48 {strides = array<i32>} : memref<128x768xf32, #tpu.memory_space<vmem>>, vector<128x768xf32>,
    } else {
    }
    return
  }
  func.func @transform_0(%arg0: i32, %arg1: memref<80xi32, #tpu.memory_space<smem>>, %arg2: memref<80xi32, #tpu.memory_space<smem>>) -> (i32, i32) {
    %c0_i32 = arith.constant 0 : i32
    %c0_i32_0 = arith.constant 0 : i32
    %c0_i32_1 = arith.constant 0 : i32
    return %c0_i32, %c0_i32_0 : i32, i32
  }
  func.func @transform_1(%arg0: i32, %arg1: memref<80xi32, #tpu.memory_space<smem>>, %arg2: memref<80xi32, #tpu.memory_space<smem>>) -> (i32, i32) {
    %c0_i32 = arith.constant 0 : i32
    %c0_i32_0 = arith.constant 0 : i32
    %c0_i32_1 = arith.constant 0 : i32
    return %c0_i32, %c0_i32_0 : i32, i32
  }
  func.func @transform_2(%arg0: i32, %arg1: memref<80xi32, #tpu.memory_space<smem>>, %arg2: memref<80xi32, #tpu.memory_space<smem>>) -> (i32, i32, i32) {
    %get3A = arith.index_cast %arg0 : i32 to index
    %get3A_0 = memref.load %arg1[%get3A] : memref<80xi32, #tpu.memory_space<smem>>
    %c0_i32 = arith.constant 0 : i32
    %c0_i32_1 = arith.constant 0 : i32
    %c0_i32_2 = arith.constant 0 : i32
    return %get3A_0, %c0_i32, %c0_i32_1 : i32, i32, i32
  }
  func.func @transform_3(%arg0: i32, %arg1: memref<80xi32, #tpu.memory_space<smem>>, %arg2: memref<80xi32, #tpu.memory_space<smem>>) -> (i32, i32, i32) {
    %get3A = arith.index_cast %arg0 : i32 to index
    %get3A_0 = memref.load %arg1[%get3A] : memref<80xi32, #tpu.memory_space<smem>>
    %c0_i32 = arith.constant 0 : i32
    %c0_i32_1 = arith.constant 0 : i32
    %c0_i32_2 = arith.constant 0 : i32
    return %get3A_0, %c0_i32, %c0_i32_1 : i32, i32, i32
  }
  func.func @transform_4(%arg0: i32, %arg1: memref<80xi32, #tpu.memory_space<smem>>, %arg2: memref<80xi32, #tpu.memory_space<smem>>) -> (i32, i32, i32) {
    %get3A = arith.index_cast %arg0 : i32 to index
    %get3A_0 = memref.load %arg1[%get3A] : memref<80xi32, #tpu.memory_space<smem>>
    %c0_i32 = arith.constant 0 : i32
    %c0_i32_1 = arith.constant 0 : i32
    %c0_i32_2 = arith.constant 0 : i32
    return %get3A_0, %c0_i32, %c0_i32_1 : i32, i32, i32
  }
  func.func @transform_5(%arg0: i32, %arg1: memref<80xi32, #tpu.memory_space<smem>>, %arg2: memref<80xi32, #tpu.memory_space<smem>>) -> (i32, i32) {
    %c0_i32 = arith.constant 0 : i32
    %c0_i32_0 = arith.constant 0 : i32
    return %arg0, %c0_i32 : i32, i32
  }
}

</mosaic_0001>

<sc_bundles>
// kernel: kernel.5.cloned.1.call-start
scs
__scs_entry_jumppad:
0x0: {  	(pc) =	sbr.rel $0x88, $3  }
0x1: {  	(tag) =	ssettag $0x0;
	lr =	simm.s32 $0x1  }
0x2: {  	[smem:$0x3F9C] =	sst lr;
	_ =	strace $0xD0000000  }
0x3: {  	_ = 	snop  }
0x4: {  	_ = 	snop  }
0x5: {  	_ = 	snop  }
0x6: {  	_ = 	snop  }
0x7: {  	_ = 	snop  }
__scs_overlays_trampoline_lowered:
0x8: {  	[smem:$0x3FAB] =	sst s0  }
0x9: {  	[smem:$0x3FAC] =	sst s1  }
0xa: {  	[smem:$0x3FAD] =	sst s2  }
0xb: {  	[smem:$0x3FAE] =	sst s3  }
0xc: {  	[smem:$0x3FAF] =	sst s4  }
0xd: {  	[smem:$0x3FB0] =	sst s5  }
0xe: {  	[smem:$0x3FB1] =	sst s6  }
0xf: {  	[smem:$0x3FB2] =	sst s7  }
0x10: {  	[smem:$0x3FB3] =	sst s8  }
0x11: {  	[smem:$0x3FB4] =	sst s9;
	s0 =	simm.s32 @!p0 $0x0  }
0x12: {  	s1 =	sld [smem:$0x3F9A];
	s0 =	simm.s32 @p0 $0x1  }
0x13: {  	[smem:$0x3FB5] =	sst s0;
	s0 =	simm.s32 @!p1 $0x0  }
0x14: {  	s2 =	sld [smem:$0x3F99];
	s0 =	simm.s32 @p1 $0x1  }
0x15: {  	[smem:$0x3FB6] =	sst s0;
	s0 =	simm.s32 @!p2 $0x0  }
0x16: {  	s3 =	sld [smem:$0x3FDB];
	s0 =	simm.s32 @p2 $0x1  }
0x17: {  	s4 =	simm.s32 $0x1BF5;
	[smem:$0x3FB8] =	sst s0  }
0x18: {  	s0 =	sld [smem:$0x3F9B];
	_ =	swait.ge [sflag:s4], $0x0  }
0x19: {  	s7 =	sld [smem:$0x3F9C]  }
0x1a: {  	s8 =	sadd.s32 $0xFFFFE003, lr  }
0x1b: {  	s9 =	sadd.s32 $0xFFFFFEF7, lr;
	s5 =	simm.s32 $0xFFFFFFFF;
	p2 =	slt.u32 s8, $0xFFFFF086  }
0x1c: {  	p1 =	slt.u32 s9, $0xF7A;
	s5 =	simm.s32 @!p2 $0x0  }
0x1d: {  	s5 =	simm.s32 @p1 $0x1;
	p0 =	seq.s32 s7, s2  }
0x1e: {  	s7 =	smul.u32 @!p0 $0xF7A, s2;
	p2 =	seq.s32 @!p0 s5, $0x0  }
0x1f: {  	s9 =	smul.u32 $0xF7A, s1;
	s8 =	simm.s32 @!p0 $0x1BF5;
	p2 =	por !p2, p0  }
0x20: {  	[sflag:s8] =	ssyncset.s32 @!p0 $0xFFFFF086;
	s6 =	sadd.s32 @!p0 s3, s7;
	s7 =	simm.s32 @!p0 $0x108  }
0x21: {  	s3 =	sadd.s32 s3, s9;
	s6 =	sadd.s32 @!p0 $0x88, s6;
	s7 =	simm.s32 @p2 $0x1082  }
0x22: {  	[simem:s7], [sflag:s8] =	dma.local @!p0 [hbm:s6], $0xF7A  }
0x23: {  	s9 =	sor.u32 $0xD0000000, s2;
	s6 =	simm.s32 $0x108;
	_ =	swait.ge @!p0 [sflag:s8], $0x0  }
0x24: {  	s3 =	sadd.s32 $0x88, s3;
	s6 =	simm.s32 @!p1 $0x1082;
	[sflag:s4] =	ssyncset.s32 $0xFFFFF086  }
0x25: {  	[simem:s6], [sflag:s4] =	dma.local [hbm:s3], $0xF7A  }
0x26: {  	[smem:$0x3F9C] =	sst s1;
	(tag) =	ssettag s2;
	_ =	strace s9  }
0x27: {  	s1 =	sld [smem:$0x3FAC]  }
0x28: {  	s2 =	sld [smem:$0x3FAD]  }
0x29: {  	s4 =	sld [smem:$0x3FAF]  }
0x2a: {  	p0 =	seq.s32 s5, $0x0;
	s5 =	sld [smem:$0x3FB0]  }
0x2b: {  	s6 =	sld [smem:$0x3FB1]  }
0x2c: {  	s7 =	sld [smem:$0x3FB2]  }
0x2d: {  	s3 =	simm.s32 $0x108;
	s8 =	sld [smem:$0x3FB3]  }
0x2e: {  	s3 =	simm.s32 @!p0 $0x1082;
	s9 =	sld [smem:$0x3FB4]  }
0x2f: {  	lr =	sadd.s32 s0, s3;
	s0 =	sld [smem:$0x3FAB]  }
0x30: {  	s3 =	sld [smem:$0x3FAE]  }
0x31: {  	[smem:$0x3FB7] =	sst s10  }
0x32: {  	s10 =	sld [smem:$0x3FB5];
	_ =	sdelay $0x3  }
0x33: {  	p0 =	seq.s32 s10, $0x1;
	s10 =	sld [smem:$0x3FB7];
	_ =	sdelay $0x3  }
0x34: {  	[smem:$0x3FB7] =	sst s10  }
0x35: {  	s10 =	sld [smem:$0x3FB6];
	_ =	sdelay $0x3  }
0x36: {  	p1 =	seq.s32 s10, $0x1;
	s10 =	sld [smem:$0x3FB7];
	_ =	sdelay $0x3  }
0x37: {  	[smem:$0x3FB7] =	sst s10  }
0x38: {  	s10 =	sld [smem:$0x3FB8]  }
0x39: {  	_ = 	snop;
	(pc) =	sbr.ind lr, $3  }
0x3a: {  	_ = 	snop  }
0x3b: {  	_ = 	snop  }
0x3c: {  	p2 =	seq.s32 s10, $0x1;
	s10 =	sld [smem:$0x3FB7]  }
0x3d: {  	_ =	shalt  }
0x3e: {  	_ =	shalt  }
0x3f: {  	_ =	shalt  }
0x40: {  	_ =	shalt  }
0x41: {  	_ =	shalt  }
0x42: {  	_ =	shalt  }
0x43: {  	_ =	shalt  }
0x44: {  	_ =	shalt  }
0x45: {  	_ =	shalt  }
0x46: {  	_ =	shalt  }
0x47: {  	_ =	shalt  }
0x48: {  	_ =	shalt  }
0x49: {  	_ =	shalt  }
0x4a: {  	_ =	shalt  }
0x4b: {  	_ =	shalt  }
0x4c: {  	_ =	shalt  }
0x4d: {  	_ =	shalt  }
0x4e: {  	_ =	shalt  }
0x4f: {  	_ =	shalt  }
0x50: {  	_ =	shalt  }
0x51: {  	_ =	shalt  }
0x52: {  	_ =	shalt  }
0x53: {  	_ =	shalt  }
0x54: {  	_ =	shalt  }
0x55: {  	_ =	shalt  }
0x56: {  	_ =	shalt  }
0x57: {  	_ =	shalt  }
0x58: {  	_ =	shalt  }
0x59: {  	_ =	shalt  }
0x5a: {  	_ =	shalt  }
0x5b: {  	_ =	shalt  }
0x5c: {  	_ =	shalt  }
0x5d: {  	_ =	shalt  }
0x5e: {  	_ =	shalt  }
0x5f: {  	_ =	shalt  }
0x60: {  	_ =	shalt  }
0x61: {  	_ =	shalt  }
0x62: {  	_ =	shalt  }
0x63: {  	_ =	shalt  }
0x64: {  	_ =	shalt  }
0x65: {  	_ =	shalt  }
0x66: {  	_ =	shalt  }
0x67: {  	_ =	shalt  }
0x68: {  	_ =	shalt  }
0x69: {  	_ =	shalt  }
0x6a: {  	_ =	shalt  }
0x6b: {  	_ =	shalt  }
0x6c: {  	_ =	shalt  }
0x6d: {  	_ =	shalt  }
0x6e: {  	_ =	shalt  }
0x6f: {  	_ =	shalt  }
0x70: {  	_ =	shalt  }
0x71: {  	_ =	shalt  }
0x72: {  	_ =	shalt  }
0x73: {  	_ =	shalt  }
0x74: {  	_ =	shalt  }
0x75: {  	_ =	shalt  }
0x76: {  	_ =	shalt  }
0x77: {  	_ =	shalt  }
0x78: {  	_ =	shalt  }
0x79: {  	_ =	shalt  }
0x7a: {  	_ =	shalt  }
0x7b: {  	_ =	shalt  }
0x7c: {  	_ =	shalt  }
0x7d: {  	_ =	shalt  }
0x7e: {  	_ =	shalt  }
0x7f: {  	_ =	shalt  }
0x80: {  	_ =	shalt  }
0x81: {  	_ =	shalt  }
0x82: {  	_ =	shalt  }
0x83: {  	_ =	shalt  }
0x84: {  	_ =	shalt  }
0x85: {  	_ =	shalt  }
0x86: {  	_ =	shalt  }
0x87: {  	_ =	shalt  }
.Lfunc_end0:
.L_simem_size_0:
called_computation_lowered:
.L_overlay_start_0:
0x88: {  	s2 =	sld [smem:$0x3FD9]  }
0x89: {  	s3 =	sld [smem:$0x3FFE];
	_ =	sdelay $0x1  }
0x8a: {  	s1 =	srdreg.scid  }
0x8b: {  	s0 =	sand.u32 $0x1, s1  }
0x8c: {  	s17 =	sshll.u32 s0, $0xA;
	s2 =	sadd.s32 s3, s2  }
0x8d: {  	s2 =	sadd.s32 s2, s17  }
0x8e: {  	[smem:$0x3FC3] =	sst s2  }
0x8f: {  	_ = 	snop  }
0x90: {  	s2 =	sld [smem:$0x3FD0];
	(tm) =	ssettm $0x1  }
0x91: {  	s18 =	sld [smem:$0x3FFB];
	_ =	sdelay $0x3  }
0x92: {  	_ =	strace s18  }
0x93: {  	s3 =	sld [smem:$0x3FFC];
	_ =	sdelay $0x3  }
0x94: {  	_ =	strace s3  }
0x95: {  	s3 =	sld [smem:$0x3FFD];
	_ =	sdelay $0x3  }
0x96: {  	_ =	strace s3  }
0x97: {  	_ =	strace $0x8FFFFFFF  }
0x98: {  	s19 =	sld [smem:$0x3FDB];
	_ =	sdelay $0x1  }
0x99: {  	s4 =	simm.s32 $_scs_section_size  }
0x9a: {  	s5 =	simm.s32 $_size__tile_overlayer_lowered;
	s6 =	simm.s32 $_tile_overlayer_lowered  }
0x9b: {  	s22 =	simm.s32 $0x1BFF;
	s21 =	sshll.u32 s6, $0x1;
	s3 =	sadd.s32 s4, s19  }
0x9c: {  	s7 =	simm.s32 $0x0;
	s20 =	sshll.u32 s5, $0x1;
	s5 =	sadd.s32 s21, s3  }
0x9d: {  	[timem:s7], [sflag:s22] =	dma.local [hbm:s5], s20  }
0x9e: {  	_ =	swait.ge [sflag:s22], s20  }
0x9f: {  	s4 =	ssub.s32 $0x0, s20;
	[sflag:s22] =	ssyncset.done $0x0  }
0xa0: {  	[sflag:s22] =	ssyncadd.s32 s4;
	_ =	sdelay $0x1  }
0xa1: {  	s23 =	simm.s32 $0x1B8B  }
0xa2: {  	_ =	swait.ge [sflag:s23], $0x1  }
0xa3: {  	[sflag:s23] =	ssyncset.done $0x0  }
0xa4: {  	s25 =	simm.s32 $0x1B8E;
	s24 =	sld [smem:$0x3FFE];
	[sflag:s23] =	ssyncadd.s32 $0xFFFFFFFF  }
0xa5: {  	s26 =	simm.s32 $execute0_lowered;
	[smem:$0x3FD2] =	sst s25  }
0xa6: {  	s5 =	sshll.u32 s26, $0x1;
	_ =	strace $0x80000046;
	[dreg:$0x1] =	wrdreg $0xFFFFFFFF  }
0xa7: {  	s28 =	simm.s32 $_size_execute0_lowered;
	s3 =	sadd.s32 s3, s5;
	[dreg:$0x0] =	wrdreg $0x0  }
0xa8: {  	s5 =	sshll.u32 s28, $0x1;
	[dreg:$0x2] =	wrdreg s3  }
0xa9: {  	[dreg:$0x3] =	wrdreg s5  }
0xaa: {  	[dreg:$0x4] =	wrdreg $0xC0  }
0xab: {  	_ =	task [dreg:s7], $0x5FFFF  }
0xac: {  	[dreg:$0x1] =	wrdreg $0xFFFFFFFF  }
0xad: {  	[dreg:$0x0] =	wrdreg $0x60  }
0xae: {  	[dreg:$0x2] =	wrdreg s24  }
0xaf: {  	[dreg:$0x3] =	wrdreg s2  }
0xb0: {  	[dreg:$0x4] =	wrdreg $0x9  }
0xb1: {  	_ =	task.clear_ibuf [dreg:s7], $0x5FFFF;
	_ =	strace $0x90000046  }
0xb2: {  	s29 =	simm.s32 $0x9;
	_ =	strace $0x80000048  }
0xb3: {  	_ =	swait.ge [sflag:s29], $0x1  }
0xb4: {  	[sflag:s29] =	ssyncadd.s32 $0xFFFFFFFF  }
0xb5: {  	_ =	strace $0x90000048  }
0xb6: {  	_ =	sfence  }
0xb7: {  	s30 =	sld [smem:$0x0];
	_ =	sdelay $0x2  }
0xb8: {  	s31 =	sshll.u32 s1, $0xD;
	s1 =	sshrl.u32 s1, $0x2  }
0xb9: {  	s3 =	sand.u32 $0x4000, s31;
	s1 =	sadd.s32 s1, s30  }
0xba: {  	s0 =	sor.u32 s3, s0;
	s1 =	sshll.u32 s1, $0x11  }
0xbb: {  	s0 =	sor.u32 s1, s0  }
0xbc: {  	s0 =	sadd.s32 $0x8F2B, s0  }
0xbd: {  	[sflag:s0] =	ssyncadd.remote.s32 $0x1  }
0xbe: {  	_ =	sfence.sel $0xFFFF  }
0xbf: {  	[dreg:$0x0] =	wrdreg $0xFFFFFFFF;
	(pc) =	sbr.abs _section_cstart, $3  }
0xc0: {  	[dreg:$0x1] =	wrdreg $0xFFFFFFFF  }
0xc1: {  	_ =	task.clear_ibuf [dreg:s7], $0x2FFFF;
	_ =	strace $0x9FFFFFFF  }
0xc2: {  	(tm) =	ssettm $0x7FFFFFFF  }
0xc3: {  	_ =	shalt  }
tec
execute0_lowered:
.L_overlay_start_1:
0x0: {  	(tag) =	ssettag $0x1  }
0x1: {  	s0 =	rddreg [dreg:$0x0]  }
0x2: {  	s5 =	rddreg [dreg:$0x1];
	s3 =	srdreg.scid  }
0x3: {  	s2 =	simm.s32 $0x0;
	s1 =	stileid.u32;
	s26 =	simm.s32 $0x880  }
0x4: {  	s10 =	simm.s32 $0x1880;
	s11 =	simm.s32 $0x2080;
	s12 =	simm.s32 $0x2880  }
0x5: {  	s13 =	simm.s32 $0x3080;
	s14 =	simm.s32 $0x3880;
	s15 =	simm.s32 $0x4080  }
0x6: {  	s16 =	simm.s32 $0x4880;
	s17 =	simm.s32 $0x5080;
	s18 =	simm.s32 $0x5880  }
0x7: {  	s19 =	simm.s32 $0x6080;
	s20 =	simm.s32 $0x6880;
	s21 =	simm.s32 $0x7080  }
0x8: {  	s22 =	simm.s32 $0x7880;
	s28 =	simm.s32 $0xA080;
	s29 =	simm.s32 $0xA880  }
0x9: {  	s30 =	simm.s32 $0xB080;
	s31 =	simm.s32 $0xB880;
	s3 =	sand.u32 $0x1, s3  }
0xa: {  	[smem:$0x7FF] =	sst s2;
	s4 =	sshll.u32 s1, $0x4;
	s6 =	sshll.u32 s3, $0x3  }
0xb: {  	_ =	strace $0x80000047;
	s23 =	ssub.s32 $0x2, s3;
	s3 =	sadd.s32 $0x600, s0  }
0xc: {  	[dreg:$0x5] =	wrdreg s26;
	s26 =	simm.s32 $0x9880;
	s4 =	sor.u32 s6, s4  }
0xd: {  	s8 =	sshrl.u32 s23, $0x1;
	s7 =	sadd.s32 s4, s0;
	s9 =	smul.u32 $0x300, s4  }
0xe: {  	s6 =	ssub.s32 s23, s8;
	s4 =	sadd.s32 $0x700, s0;
	s8 =	simm.s32 $0x80  }
0xf: {  	s23 =	simm.s32 $0x8080;
	s24 =	sadd.s32 $0x400, s7;
	s6 =	smax.u32 s6, $0x1  }
0x10: {  	v2 =	vlaneseq.u32;
	s7 =	simm.s32 $0x2;
	[dreg:$0x3] =	wrdreg s24;
	s25 =	sadd.s32 s5, s9  }
0x11: {  	vm0 =	vmmov $0xffff;
	v1 =	vshrl.u32 v2, $0x3;
	s5 =	sadd.s32 $0x800, s0;
	s9 =	simm.s32 $0x1080;
	s24 =	simm.s32 $0x8880  }
0x12: {  	v0 =	vand.u32 $0x7, v2;
	v2 =	vor.u32 $0x8, v2;
	v1 =	vmul.u32 $0x8, v1;
	s0 =	simm.s32 $0x1;
	[dreg:$0x4] =	wrdreg s25;
	s25 =	simm.s32 $0x9080  }
.LBB2_1:
0x13: {  	s1 =	rddreg [dreg:$0x3]  }
0x14: {  	[tilespmem:s2], [sflag:$0x2] =	stream.linear.gather [hbm4b:s1+s2], $0x40, $0x38;
	[tilespmem:$0xC080] =	vst v63  }
0x15: {  	_ =	swait.ge [sflag:s7], $0x40  }
0x16: {  	[sflag:s7] =	ssyncset.done $0x0  }
0x17: {  	[sflag:s7] =	ssyncadd.s32 $0xFFFFFFC0  }
0x18: {  	v3 =	vld [tilespmem:$0x0];
	_ =	sdelay $0x4  }
0x19: {  	v4 =	vshrl.u32 v3, $0x3  }
0x1a: {  	v4 =	vmul.u32 $0x30, v4  }
0x1b: {  	v3 =	vand.u32 $0x7, v3  }
0x1c: {  	v3 =	vor.u32 v3, v4  }
0x1d: {  	v4 =	vperm.xlane v3, v0;
	_ =	sdelay $0x1  }
0x1e: {  	v4 =	vadd.s32 v1, v4;
	_ =	sdelay $0x3  }
0x1f: {  	v3 =	vperm.xlane v3, v2  }
0x20: {  	[tilespmem:s8], [sflag:$0x1] =	stream.indirect_vreg.gather [hbm4b:s3+s2], $0x80, v4, vm0, $0xb8;
	[tilespmem:$0xC080] =	vst v63  }
0x21: {  	s1 =	rddreg [dreg:$0x5];
	v3 =	vadd.s32 v1, v3  }
0x22: {  	[tilespmem:s1], [sflag:$0x1] =	stream.indirect_vreg.gather [hbm4b:s4+s2], $0x80, v4, vm0, $0xb8;
	[tilespmem:$0xC080] =	vst v63  }
0x23: {  	_ = 	snop  }
0x24: {  	[tilespmem:s9], [sflag:$0x1] =	stream.indirect_vreg.gather [hbm4b:s5+s2], $0x80, v4, vm0, $0xb8;
	[tilespmem:$0xC080] =	vst v63  }
0x25: {  	_ = 	snop  }
0x26: {  	[tilespmem:s10], [sflag:$0x1] =	stream.indirect_vreg.gather [hbm4b:s3+s2], $0x80, v3, vm0, $0xb8;
	[tilespmem:$0xC080] =	vst v63  }
0x27: {  	_ = 	snop  }
0x28: {  	[tilespmem:s11], [sflag:$0x1] =	stream.indirect_vreg.gather [hbm4b:s4+s2], $0x80, v3, vm0, $0xb8;
	[tilespmem:$0xC080] =	vst v63  }
0x29: {  	_ = 	snop  }
0x2a: {  	[tilespmem:s12], [sflag:$0x1] =	stream.indirect_vreg.gather [hbm4b:s5+s2], $0x80, v3, vm0, $0xb8;
	[tilespmem:$0xC080] =	vst v63  }
0x2b: {  	v3 =	vld [tilespmem:$0x10];
	_ =	sdelay $0x4  }
0x2c: {  	v61 =	vshrl.u32 v3, $0x3  }
0x2d: {  	v4 =	vmul.u32 $0x30, v61  }
0x2e: {  	v3 =	vand.u32 $0x7, v3  }
0x2f: {  	v3 =	vor.u32 v3, v4  }
0x30: {  	v4 =	vperm.xlane v3, v0;
	_ =	sdelay $0x1  }
0x31: {  	v4 =	vadd.s32 v1, v4;
	_ =	sdelay $0x3  }
0x32: {  	v3 =	vperm.xlane v3, v2  }
0x33: {  	[tilespmem:s13], [sflag:$0x1] =	stream.indirect_vreg.gather [hbm4b:s3+s2], $0x80, v4, vm0, $0xb8;
	[tilespmem:$0xC080] =	vst v63  }
0x34: {  	v3 =	vadd.s32 v1, v3  }
0x35: {  	[tilespmem:s14], [sflag:$0x1] =	stream.indirect_vreg.gather [hbm4b:s4+s2], $0x80, v4, vm0, $0xb8;
	[tilespmem:$0xC080] =	vst v63  }
0x36: {  	_ = 	snop  }
0x37: {  	[tilespmem:s15], [sflag:$0x1] =	stream.indirect_vreg.gather [hbm4b:s5+s2], $0x80, v4, vm0, $0xb8;
	[tilespmem:$0xC080] =	vst v63  }
0x38: {  	_ = 	snop  }
0x39: {  	[tilespmem:s16], [sflag:$0x1] =	stream.indirect_vreg.gather [hbm4b:s3+s2], $0x80, v3, vm0, $0xb8;
	[tilespmem:$0xC080] =	vst v63  }
0x3a: {  	_ = 	snop  }
0x3b: {  	[tilespmem:s17], [sflag:$0x1] =	stream.indirect_vreg.gather [hbm4b:s4+s2], $0x80, v3, vm0, $0xb8;
	[tilespmem:$0xC080] =	vst v63  }
0x3c: {  	_ = 	snop  }
0x3d: {  	[tilespmem:s18], [sflag:$0x1] =	stream.indirect_vreg.gather [hbm4b:s5+s2], $0x80, v3, vm0, $0xb8;
	[tilespmem:$0xC080] =	vst v63  }
0x3e: {  	v3 =	vld [tilespmem:$0x20];
	_ =	sdelay $0x4  }
0x3f: {  	v62 =	vshrl.u32 v3, $0x3  }
0x40: {  	v4 =	vmul.u32 $0x30, v62  }
0x41: {  	v3 =	vand.u32 $0x7, v3  }
0x42: {  	v3 =	vor.u32 v3, v4  }
0x43: {  	v4 =	vperm.xlane v3, v0;
	_ =	sdelay $0x1  }
0x44: {  	v4 =	vadd.s32 v1, v4;
	_ =	sdelay $0x3  }
0x45: {  	v3 =	vperm.xlane v3, v2  }
0x46: {  	[tilespmem:s19], [sflag:$0x1] =	stream.indirect_vreg.gather [hbm4b:s3+s2], $0x80, v4, vm0, $0xb8;
	[tilespmem:$0xC080] =	vst v63  }
0x47: {  	v3 =	vadd.s32 v1, v3  }
0x48: {  	[tilespmem:s20], [sflag:$0x1] =	stream.indirect_vreg.gather [hbm4b:s4+s2], $0x80, v4, vm0, $0xb8;
	[tilespmem:$0xC080] =	vst v63  }
0x49: {  	_ = 	snop  }
0x4a: {  	[tilespmem:s21], [sflag:$0x1] =	stream.indirect_vreg.gather [hbm4b:s5+s2], $0x80, v4, vm0, $0xb8;
	[tilespmem:$0xC080] =	vst v63  }
0x4b: {  	_ = 	snop  }
0x4c: {  	[tilespmem:s22], [sflag:$0x1] =	stream.indirect_vreg.gather [hbm4b:s3+s2], $0x80, v3, vm0, $0xb8;
	[tilespmem:$0xC080] =	vst v63  }
0x4d: {  	_ = 	snop  }
0x4e: {  	[tilespmem:s23], [sflag:$0x1] =	stream.indirect_vreg.gather [hbm4b:s4+s2], $0x80, v3, vm0, $0xb8;
	[tilespmem:$0xC080] =	vst v63  }
0x4f: {  	_ = 	snop  }
0x50: {  	[tilespmem:s24], [sflag:$0x1] =	stream.indirect_vreg.gather [hbm4b:s5+s2], $0x80, v3, vm0, $0xb8;
	[tilespmem:$0xC080] =	vst v63  }
0x51: {  	v3 =	vld [tilespmem:$0x30];
	_ =	sdelay $0x4  }
0x52: {  	v63 =	vshrl.u32 v3, $0x3  }
0x53: {  	v4 =	vmul.u32 $0x30, v63  }
0x54: {  	v3 =	vand.u32 $0x7, v3  }
0x55: {  	v3 =	vor.u32 v3, v4  }
0x56: {  	v4 =	vperm.xlane v3, v0;
	_ =	sdelay $0x1  }
0x57: {  	v4 =	vadd.s32 v1, v4;
	_ =	sdelay $0x3  }
0x58: {  	v3 =	vperm.xlane v3, v2  }
0x59: {  	[tilespmem:s25], [sflag:$0x1] =	stream.indirect_vreg.gather [hbm4b:s3+s2], $0x80, v4, vm0, $0xb8;
	[tilespmem:$0xC080] =	vst v63  }
0x5a: {  	v3 =	vadd.s32 v1, v3  }
0x5b: {  	[tilespmem:s26], [sflag:$0x1] =	stream.indirect_vreg.gather [hbm4b:s4+s2], $0x80, v4, vm0, $0xb8;
	[tilespmem:$0xC080] =	vst v63  }
0x5c: {  	_ = 	snop  }
0x5d: {  	[tilespmem:s28], [sflag:$0x1] =	stream.indirect_vreg.gather [hbm4b:s5+s2], $0x80, v4, vm0, $0xb8;
	[tilespmem:$0xC080] =	vst v63  }
0x5e: {  	_ = 	snop  }
0x5f: {  	[tilespmem:s29], [sflag:$0x1] =	stream.indirect_vreg.gather [hbm4b:s3+s2], $0x80, v3, vm0, $0xb8;
	[tilespmem:$0xC080] =	vst v63  }
0x60: {  	_ = 	snop  }
0x61: {  	[tilespmem:s30], [sflag:$0x1] =	stream.indirect_vreg.gather [hbm4b:s4+s2], $0x80, v3, vm0, $0xb8;
	[tilespmem:$0xC080] =	vst v63  }
0x62: {  	_ = 	snop  }
0x63: {  	[tilespmem:s31], [sflag:$0x1] =	stream.indirect_vreg.gather [hbm4b:s5+s2], $0x80, v3, vm0, $0xb8;
	[tilespmem:$0xC080] =	vst v63  }
0x64: {  	_ =	swait.ge [sflag:s0], $0xC000  }
0x65: {  	p0 =	sne.s32 s6, $0x1;
	[sflag:s0] =	ssyncset.done $0x0  }
.Ltmp0:
0x66: {  	s1 =	rddreg [dreg:$0x4];
	[sflag:s0] =	ssyncadd.s32 $0xFFFF4000;
	(pc) =	sbr.rel @p0 .LBB2_1-.Ltmp0, $4  }
0x67: {  	[hbm4b:s1+s2] =	stream.linear.scatter [tilespmem:s8], [sflag:$0x2], $0xC000, $0x38;
	[tilespmem:$0xC080] =	vst v63  }
0x68: {  	_ =	swait.ge [sflag:s7], $0xC000  }
0x69: {  	[sflag:s7] =	ssyncset.done $0x0  }
0x6a: {  	s6 =	sadd.s32 $0xFFFFFFFF, s6;
	[sflag:s7] =	ssyncadd.s32 $0xFFFF4000  }
0x6b: {  	_ =	sfence.sel $0x180000  }
0x6c: {  	[bflag:$0x0] =	sbarrier.arrive $0xFFFF  }
0x6d: {  	_ =	strace $0x90000047  }
0x6e: {  	s0 =	stileid.u32;
	[bflag:$0x2] =	sbarrier.arrive $0xFFFF  }
0x6f: {  	p0 =	sne.s32 s0, $0x0;
	s0 =	rddreg [dreg:$0x2]  }
0x70: {  	s0 =	sadd.s32 @!p0 $0x100000, s0  }
0x71: {  	[sflag:s0] =	ssyncadd.tile.s32 @!p0 $0x1;
	_ =	shalt  }
.Lfunc_end2:
_tile_overlayer_lowered:
.L_overlay_start_2:
0x72: {  	(tag) =	ssettag $0x2  }
0x73: {  	s0 =	rddreg [dreg:$0x0];
	s2 =	stileid.u32  }
0x74: {  	s1 =	rddreg [dreg:$0x1];
	p0 =	sne.s32 s2, $0x0  }
0x75: {  	s3 =	rddreg [dreg:$0x2];
	[bflag:$0x3] =	sbarrier.arrive $0xFFFF;
	s2 =	simm.s32 @!p0 $0x1C02  }
0x76: {  	[timem:s3], [sflag:s2] =	dma.local @!p0 [hbm:s0], s1  }
0x77: {  	s0 =	simm.s32 @!p0 $0x2  }
0x78: {  	_ =	swait.ge @!p0 [sflag:s0], s1  }
0x79: {  	s1 =	ssub.s32 @!p0 $0x0, s1;
	[sflag:s0] =	ssyncset.done @!p0 $0x0  }
0x7a: {  	[sflag:s0] =	ssyncadd.s32 @!p0 s1  }
0x7b: {  	[bflag:$0x3] =	sbarrier.arrive $0xFFFF  }
0x7c: {  	_ =	shalt  }

</sc_bundles>
